<compile_context>
chip_gen: v7x
topology: tpu7x:2x2x1
jax: 0.10.2.dev20260603
libtpu: 0.0.44.dev20260713+nightly
codegen_flags: <defaults>
</compile_context>

<pallas_src>
import functools

import jax
import jax.numpy as jnp
from jax import lax
from jax.experimental import pallas as pl
from jax.experimental.pallas import tpu as pltpu
from jax.experimental.pallas import tpu_sc as plsc

B = 16384
NF = 16
NN = 63
EMB = 128
NR = NF + 1

_info = plsc.get_sparse_core_info()
NC = _info.num_cores
NS = _info.num_subcores
NW = NC * NS
SPW = B // NW
NRING = 6

TB = 4096

_mesh = plsc.VectorSubcoreMesh(core_axis_name="c", subcore_axis_name="s")


def _lin_body(x_ref, w_ref, b_ref, cat_ref, o_ref, catp_ref):
    o_ref[...] = (
        lax.dot_general(x_ref[...], w_ref[...], (((1,), (1,)), ((), ())),
                        preferred_element_type=jnp.float32)
        + b_ref[...]
    )
    c = cat_ref[...].reshape(TB // 8, 8, NF)
    catp_ref[...] = c.transpose(0, 2, 1).reshape(TB // 8, NF * 8)


_lin_kernel = pl.pallas_call(
    _lin_body,
    out_shape=(
        jax.ShapeDtypeStruct((B, EMB), jnp.float32),
        jax.ShapeDtypeStruct((B // 8, NF * 8), jnp.int32),
    ),
    grid=(B // TB,),
    in_specs=[
        pl.BlockSpec((TB, NN), lambda i: (i, 0)),
        pl.BlockSpec((EMB, NN), lambda i: (0, 0)),
        pl.BlockSpec((EMB,), lambda i: (0,)),
        pl.BlockSpec((TB, NF), lambda i: (i, 0)),
    ],
    out_specs=(
        pl.BlockSpec((TB, EMB), lambda i: (i, 0)),
        pl.BlockSpec((TB // 8, NF * 8), lambda i: (i, 0)),
    ),
)


@functools.partial(
    pl.kernel,
    out_type=jax.ShapeDtypeStruct((B // 8, NR * 8, EMB), jnp.float32),
    mesh=_mesh,
    scratch_types=[
        pltpu.VMEM((SPW // 8, NF * 8), jnp.int32),
        pltpu.VMEM((NRING, NR * 8, EMB), jnp.float32),
        pltpu.VMEM_SHARED((128, EMB), jnp.float32),
        pltpu.SemaphoreType.DMA,
        pltpu.SemaphoreType.DMA,
        pltpu.SemaphoreType.DMA,
    ],
)
def _emb_kernel(catp_hbm, nemb_hbm, tbl_hbm, out_hbm,
                idx_v, obuf, tbl_sh, g_sem, n_sem, out_sem):
    wid = lax.axis_index("c") * NS + lax.axis_index("s")
    base0 = pl.multiple_of(wid * SPW, 8)
    blk0 = pl.multiple_of(wid * (SPW // 8), 8)

    @pl.when(lax.axis_index("s") == 0)
    def _():
        pltpu.sync_copy(tbl_hbm, tbl_sh.at[pl.ds(0, 127)])

    pltpu.sync_copy(catp_hbm.at[pl.ds(blk0, SPW // 8)], idx_v)
    plsc.subcore_barrier()

    NBLK = SPW // 8

    def gather_copy(blk, p):
        return pltpu.make_async_copy(
            tbl_sh.at[idx_v.at[blk]],
            obuf.at[p, pl.ds(0, NF * 8)], g_sem)

    def nemb_copy(blk, p):
        return pltpu.make_async_copy(
            nemb_hbm.at[pl.ds(pl.multiple_of(base0 + blk * 8, 8), 8)],
            obuf.at[p, pl.ds(NF * 8, 8)], n_sem)

    def out_copy(blk, p):
        return pltpu.make_async_copy(
            obuf.at[p], out_hbm.at[blk0 + blk], out_sem)

    def blk_body(blk, carry):
        p = lax.rem(blk, NRING)

        @pl.when(blk >= NRING)
        def _():
            out_copy(blk - NRING, p).wait()

        gather_copy(blk, p).start()
        nemb_copy(blk, p).start()

        @pl.when(blk >= 1)
        def _():
            pm = lax.rem(blk + NRING - 1, NRING)
            gather_copy(blk - 1, pm).wait()
            nemb_copy(blk - 1, pm).wait()
            out_copy(blk - 1, pm).start()
        return carry

    lax.fori_loop(0, NBLK, blk_body, 0)

    pl_last = lax.rem(NBLK - 1, NRING)
    gather_copy(NBLK - 1, pl_last).wait()
    nemb_copy(NBLK - 1, pl_last).wait()
    out_copy(NBLK - 1, pl_last).start()
    for k in range(NRING):
        out_copy(NBLK - NRING + k, lax.rem(NBLK - NRING + k, NRING)).wait()


def kernel(categorical_x, numerical_x, emb_table, W, b):
    cat = categorical_x.astype(jnp.int32)
    nemb, catp = _lin_kernel(numerical_x, W, b, cat)
    out4 = _emb_kernel(catp, nemb, emb_table)
    out4 = out4.reshape(B // 8, NR, 8, EMB)
    return out4.transpose(0, 2, 1, 3).reshape(B, NR * EMB)

# --- scband reference (transcript-rebuilt; emitter-appended) ---
"""Pipeline reference for scband-alldata-embedding-layer-54193897340986 (READ-ONLY COPY).

The authoritative reference and input builder live on the scoring server;
editing this copy changes nothing except your own understanding.
"""

import jax, jax.numpy as jnp
import numpy as np

B = 16384
N_FIELDS = 16
NUM_NUMERICAL = 63
EMB = 128
VOCAB = 127  # sum([8,4,7,2,19,7,50,8,8,2,2,2,2,2,2,2])


def setup_inputs(seed: int = 0) -> dict:
    key = jax.random.key(seed)
    k1, k2, k3, k4, k5 = jax.random.split(key, 5)
    categorical_x = jax.random.randint(k1, (B, N_FIELDS), 0, VOCAB, dtype=jnp.int64 if jax.config.read('jax_enable_x64') else jnp.int32)
    numerical_x = jax.random.normal(k2, (B, NUM_NUMERICAL), dtype=jnp.float32)
    # xavier_uniform for embedding table [VOCAB, EMB]
    limit = float(np.sqrt(6.0 / (VOCAB + EMB)))
    emb_table = jax.random.uniform(k3, (VOCAB, EMB), minval=-limit, maxval=limit, dtype=jnp.float32)
    # Linear(63 -> EMB): kaiming-uniform-ish init like torch default
    lim_w = float(1.0 / np.sqrt(NUM_NUMERICAL))
    W = jax.random.uniform(k4, (EMB, NUM_NUMERICAL), minval=-lim_w, maxval=lim_w, dtype=jnp.float32)
    b = jax.random.uniform(k5, (EMB,), minval=-lim_w, maxval=lim_w, dtype=jnp.float32)
    return {"categorical_x": categorical_x, "numerical_x": numerical_x, "emb_table": emb_table, "W": W, "b": b}


def reference(categorical_x, numerical_x, emb_table, W, b):
    # embedding lookup: [B, 16, EMB]
    categorical_emb = jnp.take(emb_table, categorical_x, axis=0)
    # linear on numerical features: [B, EMB] -> [B, 1, EMB]
    numerical_emb = (numerical_x @ W.T + b)[:, None, :]
    out = jnp.concatenate([categorical_emb, numerical_emb], axis=1)
    return out.reshape(-1, (N_FIELDS + 1) * EMB)

if __name__ == "__main__":
    import jax
    _d = setup_inputs()
    print(jax.jit(kernel)(*tuple(_d.values())))

</pallas_src>

<mosaic_0001>
#map = affine_map<(d0, d1) -> (0, 0)>
#map1 = affine_map<(d0, d1) -> (0, 0, 0)>
module attributes {stable_mosaic.version = 14 : i64} {
  func.func @_emb_kernel(%arg0: i32, %arg1: i32, %arg2: memref<2048x128xi32, #tpu.memory_space<hbm>>, %arg3: memref<16384x128xf32, #tpu.memory_space<hbm>>, %arg4: memref<127x128xf32, #tpu.memory_space<hbm>>, %arg5: memref<2048x136x128xf32, #tpu.memory_space<hbm>>, %arg6: memref<64x128xi32, #tpu.memory_space<vmem>>, %arg7: memref<6x136x128xf32, #tpu.memory_space<vmem>>, %arg8: memref<128x128xf32, #tpu.memory_space<vmem_shared>>, %arg9: memref<!tpu.dma_semaphore, #tpu.memory_space<semaphore_mem>>, %arg10: memref<!tpu.dma_semaphore, #tpu.memory_space<semaphore_mem>>, %arg11: memref<!tpu.dma_semaphore, #tpu.memory_space<semaphore_mem>>) attributes {dimension_semantics = [#tpu.dimension_semantics<core_parallel>, #tpu.dimension_semantics<subcore_parallel>], iteration_bounds = array<i64: 2, 16>, scalar_prefetch = 0 : i64, scratch_operands = 6 : i64, tpu.core_type = #tpu.core_type<sc_vector_subcore>, window_params = [{transform_indices = #map}, {transform_indices = #map}, {transform_indices = #map}, {transform_indices = #map1}]} {
    %mul3A = arith.constant 16 : i32
    %mul3A_0 = arith.muli %arg0, %mul3A : i32
    %add3A = arith.addi %mul3A_0, %arg1 : i32
    %mul3A_1 = arith.constant 512 : i32
    %mul3A_2 = arith.muli %add3A, %mul3A_1 : i32
    %multiple_of3A = tpu.assume_multiple %mul3A_2, 8 : i32
    %mul3A_3 = arith.constant 64 : i32
    %mul3A_4 = arith.muli %add3A, %mul3A_3 : i32
    %multiple_of3A_5 = tpu.assume_multiple %mul3A_4, 8 : i32
    %eq3A = arith.constant 0 : i32
    %eq3A_6 = arith.cmpi eq, %arg1, %eq3A : i32
    %convert_element_type3A = arith.extui %eq3A_6 : i1 to i32
    %cond3A = arith.constant 0 : i32
    %cond3A_7 = arith.cmpi ne, %convert_element_type3A, %cond3A : i32
    scf.if %cond3A_7 {
      "tpu.region"() ({
        %run_scoped3A = tpu.sem_alloc : memref<!tpu.dma_semaphore, #tpu.memory_space<semaphore_mem>>
        %dma_start3A_183 = arith.constant 0 : i32
        %dma_start3A_184 = arith.constant 0 : i32
        %dma_start3A_185 = tpu.memref_slice %arg8[%dma_start3A_183, %dma_start3A_184] : memref<128x128xf32, #tpu.memory_space<vmem_shared>> -> memref<127x128xf32, #tpu.memory_space<vmem_shared>>
        tpu.enqueue_dma source(%arg4 : memref<127x128xf32, #tpu.memory_space<hbm>>) target(%dma_start3A_185 : memref<127x128xf32, #tpu.memory_space<vmem_shared>>) target_semaphore(%run_scoped3A : memref<!tpu.dma_semaphore, #tpu.memory_space<semaphore_mem>>)
        %dma_wait3A_186 = arith.constant 0 : i32
        %dma_wait3A_187 = arith.constant 0 : i32
        %dma_wait3A_188 = tpu.memref_slice %arg8[%dma_wait3A_186, %dma_wait3A_187] : memref<128x128xf32, #tpu.memory_space<vmem_shared>> -> memref<127x128xf32, #tpu.memory_space<vmem_shared>>
        tpu.wait_dma2 semaphore(%run_scoped3A : memref<!tpu.dma_semaphore, #tpu.memory_space<semaphore_mem>>) src(%arg4 : memref<127x128xf32, #tpu.memory_space<hbm>>) dst(%dma_wait3A_188 : memref<127x128xf32, #tpu.memory_space<vmem_shared>>)
        tpu.yield
      }) : () -> ()
    } else {
    }
    "tpu.region"() ({
      %run_scoped3A = tpu.sem_alloc : memref<!tpu.dma_semaphore, #tpu.memory_space<semaphore_mem>>
      %dma_start3A_183 = arith.constant 0 : i32
      %dma_start3A_184 = tpu.memref_slice %arg2[%multiple_of3A_5, %dma_start3A_183] : memref<2048x128xi32, #tpu.memory_space<hbm>> -> memref<64x128xi32, #tpu.memory_space<hbm>>
      %dma_start3A_185 = arith.constant 0 : i32
      %dma_start3A_186 = tpu.memref_slice %arg2[%multiple_of3A_5, %dma_start3A_185] : memref<2048x128xi32, #tpu.memory_space<hbm>> -> memref<64x128xi32, #tpu.memory_space<hbm>>
      tpu.enqueue_dma source(%dma_start3A_186 : memref<64x128xi32, #tpu.memory_space<hbm>>) target(%arg6 : memref<64x128xi32, #tpu.memory_space<vmem>>) target_semaphore(%run_scoped3A : memref<!tpu.dma_semaphore, #tpu.memory_space<semaphore_mem>>)
      %dma_wait3A_187 = arith.constant 0 : i32
      %dma_wait3A_188 = tpu.memref_slice %arg2[%multiple_of3A_5, %dma_wait3A_187] : memref<2048x128xi32, #tpu.memory_space<hbm>> -> memref<64x128xi32, #tpu.memory_space<hbm>>
      %dma_wait3A_189 = arith.constant 0 : i32
      %dma_wait3A_190 = tpu.memref_slice %arg2[%multiple_of3A_5, %dma_wait3A_189] : memref<2048x128xi32, #tpu.memory_space<hbm>> -> memref<64x128xi32, #tpu.memory_space<hbm>>
      tpu.wait_dma2 semaphore(%run_scoped3A : memref<!tpu.dma_semaphore, #tpu.memory_space<semaphore_mem>>) src(%dma_wait3A_190 : memref<64x128xi32, #tpu.memory_space<hbm>>) dst(%arg6 : memref<64x128xi32, #tpu.memory_space<vmem>>)
      tpu.yield
    }) : () -> ()
    %barrier3A = arith.constant 0 : index
    tpu.barrier barrier_id(%barrier3A)
    %scan3A = arith.constant 0 : i32
    %scan3A_8 = arith.constant 0 : i32
    %scan3A_9 = arith.constant 64 : i32
    %scan3A_10 = arith.addi %scan3A_8, %scan3A_9 : i32
    %scan3A_11 = arith.constant 1 : i32
    scf.for %scan3A_183 = %scan3A_8 to %scan3A_10 step %scan3A_11  : i32 {
      %rem3A_184 = arith.constant 6 : i32
      %rem3A_185 = arith.remsi %scan3A_183, %rem3A_184 : i32
      %ge3A = arith.constant 6 : i32
      %ge3A_186 = arith.cmpi sge, %scan3A_183, %ge3A : i32
      %convert_element_type3A_187 = arith.extui %ge3A_186 : i1 to i32
      %cond3A_188 = arith.constant 0 : i32
      %cond3A_189 = arith.cmpi ne, %convert_element_type3A_187, %cond3A_188 : i32
      scf.if %cond3A_189 {
        %sub3A = arith.constant 6 : i32
        %sub3A_221 = arith.subi %scan3A_183, %sub3A : i32
        %add3A_222 = arith.addi %multiple_of3A_5, %sub3A_221 : i32
        %dma_wait3A_223 = arith.constant 0 : i32
        %dma_wait3A_224 = arith.constant 0 : i32
        %dma_wait3A_225 = tpu.memref_slice %arg7[%rem3A_185, %dma_wait3A_223, %dma_wait3A_224] : memref<6x136x128xf32, #tpu.memory_space<vmem>> -> memref<1x136x128xf32, #tpu.memory_space<vmem>>
        %dma_wait3A_226 = tpu.memref_squeeze %dma_wait3A_225 : memref<1x136x128xf32, #tpu.memory_space<vmem>> -> memref<136x128xf32, #tpu.memory_space<vmem>>
        %dma_wait3A_227 = arith.constant 0 : i32
        %dma_wait3A_228 = arith.constant 0 : i32
        %dma_wait3A_229 = tpu.memref_slice %arg5[%add3A_222, %dma_wait3A_227, %dma_wait3A_228] : memref<2048x136x128xf32, #tpu.memory_space<hbm>> -> memref<1x136x128xf32, #tpu.memory_space<hbm>>
        %dma_wait3A_230 = tpu.memref_squeeze %dma_wait3A_229 : memref<1x136x128xf32, #tpu.memory_space<hbm>> -> memref<136x128xf32, #tpu.memory_space<hbm>>
        %dma_wait3A_231 = arith.constant 0 : i32
        %dma_wait3A_232 = arith.constant 0 : i32
        %dma_wait3A_233 = tpu.memref_slice %arg5[%add3A_222, %dma_wait3A_231, %dma_wait3A_232] : memref<2048x136x128xf32, #tpu.memory_space<hbm>> -> memref<1x136x128xf32, #tpu.memory_space<hbm>>
        %dma_wait3A_234 = tpu.memref_squeeze %dma_wait3A_233 : memref<1x136x128xf32, #tpu.memory_space<hbm>> -> memref<136x128xf32, #tpu.memory_space<hbm>>
        %dma_wait3A_235 = arith.constant 0 : i32
        %dma_wait3A_236 = arith.constant 0 : i32
        %dma_wait3A_237 = tpu.memref_slice %arg7[%rem3A_185, %dma_wait3A_235, %dma_wait3A_236] : memref<6x136x128xf32, #tpu.memory_space<vmem>> -> memref<1x136x128xf32, #tpu.memory_space<vmem>>
        %dma_wait3A_238 = tpu.memref_squeeze %dma_wait3A_237 : memref<1x136x128xf32, #tpu.memory_space<vmem>> -> memref<136x128xf32, #tpu.memory_space<vmem>>
        tpu.wait_dma2 semaphore(%arg11 : memref<!tpu.dma_semaphore, #tpu.memory_space<semaphore_mem>>) src(%dma_wait3A_238 : memref<136x128xf32, #tpu.memory_space<vmem>>) dst(%dma_wait3A_234 : memref<136x128xf32, #tpu.memory_space<hbm>>)
      } else {
      }
      %dma_start3A_190 = arith.constant 0 : i32
      %dma_start3A_191 = arith.constant 0 : i32
      %dma_start3A_192 = tpu.memref_slice %arg7[%rem3A_185, %dma_start3A_190, %dma_start3A_191] : memref<6x136x128xf32, #tpu.memory_space<vmem>> -> memref<1x128x128xf32, #tpu.memory_space<vmem>>
      %dma_start3A_193 = tpu.memref_squeeze %dma_start3A_192 : memref<1x128x128xf32, #tpu.memory_space<vmem>> -> memref<128x128xf32, #tpu.memory_space<vmem>>
      %dma_start3A_194 = arith.constant 0 : i32
      %dma_start3A_195 = tpu.memref_slice %arg6[%scan3A_183, %dma_start3A_194] : memref<64x128xi32, #tpu.memory_space<vmem>> -> memref<1x128xi32, #tpu.memory_space<vmem>>
      %dma_start3A_196 = tpu.memref_squeeze %dma_start3A_195 : memref<1x128xi32, #tpu.memory_space<vmem>> -> memref<128xi32, #tpu.memory_space<vmem>>
      %dma_start3A_197 = arith.constant 0 : i32
      %dma_start3A_198 = arith.constant 0 : i32
      %dma_start3A_199 = tpu.memref_slice %arg8[%dma_start3A_197, %dma_start3A_198] : memref<128x128xf32, #tpu.memory_space<vmem_shared>> -> memref<128x128xf32, #tpu.memory_space<vmem_shared>>
      tpu.enqueue_indirect_dma source(%dma_start3A_199 : memref<128x128xf32, #tpu.memory_space<vmem_shared>>) target(%dma_start3A_193 : memref<128x128xf32, #tpu.memory_space<vmem>>) offsets(%dma_start3A_196 : memref<128xi32, #tpu.memory_space<vmem>>) semaphore(%arg9 : memref<!tpu.dma_semaphore, #tpu.memory_space<semaphore_mem>>)
      %mul3A_200 = arith.constant 8 : i32
      %mul3A_201 = arith.muli %scan3A_183, %mul3A_200 : i32
      %add3A_202 = arith.addi %multiple_of3A, %mul3A_201 : i32
      %multiple_of3A_203 = tpu.assume_multiple %add3A_202, 8 : i32
      %dma_start3A_204 = arith.constant 128 : i32
      %dma_start3A_205 = arith.constant 0 : i32
      %dma_start3A_206 = tpu.memref_slice %arg7[%rem3A_185, %dma_start3A_204, %dma_start3A_205] : memref<6x136x128xf32, #tpu.memory_space<vmem>> -> memref<1x8x128xf32, #tpu.memory_space<vmem>>
      %dma_start3A_207 = tpu.memref_squeeze %dma_start3A_206 : memref<1x8x128xf32, #tpu.memory_space<vmem>> -> memref<8x128xf32, #tpu.memory_space<vmem>>
      %dma_start3A_208 = arith.constant 0 : i32
      %dma_start3A_209 = tpu.memref_slice %arg3[%multiple_of3A_203, %dma_start3A_208] : memref<16384x128xf32, #tpu.memory_space<hbm>> -> memref<8x128xf32, #tpu.memory_space<hbm>>
      %dma_start3A_210 = arith.constant 128 : i32
      %dma_start3A_211 = arith.constant 0 : i32
      %dma_start3A_212 = tpu.memref_slice %arg7[%rem3A_185, %dma_start3A_210, %dma_start3A_211] : memref<6x136x128xf32, #tpu.memory_space<vmem>> -> memref<1x8x128xf32, #tpu.memory_space<vmem>>
      %dma_start3A_213 = tpu.memref_squeeze %dma_start3A_212 : memref<1x8x128xf32, #tpu.memory_space<vmem>> -> memref<8x128xf32, #tpu.memory_space<vmem>>
      %dma_start3A_214 = arith.constant 0 : i32
      %dma_start3A_215 = tpu.memref_slice %arg3[%multiple_of3A_203, %dma_start3A_214] : memref<16384x128xf32, #tpu.memory_space<hbm>> -> memref<8x128xf32, #tpu.memory_space<hbm>>
      tpu.enqueue_dma source(%dma_start3A_215 : memref<8x128xf32, #tpu.memory_space<hbm>>) target(%dma_start3A_213 : memref<8x128xf32, #tpu.memory_space<vmem>>) target_semaphore(%arg10 : memref<!tpu.dma_semaphore, #tpu.memory_space<semaphore_mem>>)
      %ge3A_216 = arith.constant 1 : i32
      %ge3A_217 = arith.cmpi sge, %scan3A_183, %ge3A_216 : i32
      %convert_element_type3A_218 = arith.extui %ge3A_217 : i1 to i32
      %cond3A_219 = arith.constant 0 : i32
      %cond3A_220 = arith.cmpi ne, %convert_element_type3A_218, %cond3A_219 : i32
      scf.if %cond3A_220 {
        %add3A_221 = arith.constant 6 : i32
        %add3A_222 = arith.addi %scan3A_183, %add3A_221 : i32
        %sub3A = arith.constant 1 : i32
        %sub3A_223 = arith.subi %add3A_222, %sub3A : i32
        %rem3A_224 = arith.constant 6 : i32
        %rem3A_225 = arith.remsi %sub3A_223, %rem3A_224 : i32
        %sub3A_226 = arith.constant 1 : i32
        %sub3A_227 = arith.subi %scan3A_183, %sub3A_226 : i32
        %dma_wait3A_228 = arith.constant 0 : i32
        %dma_wait3A_229 = arith.constant 0 : i32
        %dma_wait3A_230 = tpu.memref_slice %arg7[%rem3A_225, %dma_wait3A_228, %dma_wait3A_229] : memref<6x136x128xf32, #tpu.memory_space<vmem>> -> memref<1x128x128xf32, #tpu.memory_space<vmem>>
        %dma_wait3A_231 = tpu.memref_squeeze %dma_wait3A_230 : memref<1x128x128xf32, #tpu.memory_space<vmem>> -> memref<128x128xf32, #tpu.memory_space<vmem>>
        %dma_wait3A_232 = arith.constant 0 : i32
        %dma_wait3A_233 = tpu.memref_slice %arg6[%sub3A_227, %dma_wait3A_232] : memref<64x128xi32, #tpu.memory_space<vmem>> -> memref<1x128xi32, #tpu.memory_space<vmem>>
        %dma_wait3A_234 = tpu.memref_squeeze %dma_wait3A_233 : memref<1x128xi32, #tpu.memory_space<vmem>> -> memref<128xi32, #tpu.memory_space<vmem>>
        %dma_wait3A_235 = arith.constant 0 : i32
        %dma_wait3A_236 = arith.constant 0 : i32
        %dma_wait3A_237 = tpu.memref_slice %arg8[%dma_wait3A_235, %dma_wait3A_236] : memref<128x128xf32, #tpu.memory_space<vmem_shared>> -> memref<128x128xf32, #tpu.memory_space<vmem_shared>>
        tpu.wait_indirect_dma semaphore(%arg9 : memref<!tpu.dma_semaphore, #tpu.memory_space<semaphore_mem>>) src(%dma_wait3A_237 : memref<128x128xf32, #tpu.memory_space<vmem_shared>>) dst(%dma_wait3A_231 : memref<128x128xf32, #tpu.memory_space<vmem>>)
        %sub3A_238 = arith.constant 1 : i32
        %sub3A_239 = arith.subi %scan3A_183, %sub3A_238 : i32
        %mul3A_240 = arith.constant 8 : i32
        %mul3A_241 = arith.muli %sub3A_239, %mul3A_240 : i32
        %add3A_242 = arith.addi %multiple_of3A, %mul3A_241 : i32
        %multiple_of3A_243 = tpu.assume_multiple %add3A_242, 8 : i32
        %dma_wait3A_244 = arith.constant 128 : i32
        %dma_wait3A_245 = arith.constant 0 : i32
        %dma_wait3A_246 = tpu.memref_slice %arg7[%rem3A_225, %dma_wait3A_244, %dma_wait3A_245] : memref<6x136x128xf32, #tpu.memory_space<vmem>> -> memref<1x8x128xf32, #tpu.memory_space<vmem>>
        %dma_wait3A_247 = tpu.memref_squeeze %dma_wait3A_246 : memref<1x8x128xf32, #tpu.memory_space<vmem>> -> memref<8x128xf32, #tpu.memory_space<vmem>>
        %dma_wait3A_248 = arith.constant 0 : i32
        %dma_wait3A_249 = tpu.memref_slice %arg3[%multiple_of3A_243, %dma_wait3A_248] : memref<16384x128xf32, #tpu.memory_space<hbm>> -> memref<8x128xf32, #tpu.memory_space<hbm>>
        %dma_wait3A_250 = arith.constant 128 : i32
        %dma_wait3A_251 = arith.constant 0 : i32
        %dma_wait3A_252 = tpu.memref_slice %arg7[%rem3A_225, %dma_wait3A_250, %dma_wait3A_251] : memref<6x136x128xf32, #tpu.memory_space<vmem>> -> memref<1x8x128xf32, #tpu.memory_space<vmem>>
        %dma_wait3A_253 = tpu.memref_squeeze %dma_wait3A_252 : memref<1x8x128xf32, #tpu.memory_space<vmem>> -> memref<8x128xf32, #tpu.memory_space<vmem>>
        %dma_wait3A_254 = arith.constant 0 : i32
        %dma_wait3A_255 = tpu.memref_slice %arg3[%multiple_of3A_243, %dma_wait3A_254] : memref<16384x128xf32, #tpu.memory_space<hbm>> -> memref<8x128xf32, #tpu.memory_space<hbm>>
        tpu.wait_dma2 semaphore(%arg10 : memref<!tpu.dma_semaphore, #tpu.memory_space<semaphore_mem>>) src(%dma_wait3A_255 : memref<8x128xf32, #tpu.memory_space<hbm>>) dst(%dma_wait3A_253 : memref<8x128xf32, #tpu.memory_space<vmem>>)
        %sub3A_256 = arith.constant 1 : i32
        %sub3A_257 = arith.subi %scan3A_183, %sub3A_256 : i32
        %add3A_258 = arith.addi %multiple_of3A_5, %sub3A_257 : i32
        %dma_start3A_259 = arith.constant 0 : i32
        %dma_start3A_260 = arith.constant 0 : i32
        %dma_start3A_261 = tpu.memref_slice %arg7[%rem3A_225, %dma_start3A_259, %dma_start3A_260] : memref<6x136x128xf32, #tpu.memory_space<vmem>> -> memref<1x136x128xf32, #tpu.memory_space<vmem>>
        %dma_start3A_262 = tpu.memref_squeeze %dma_start3A_261 : memref<1x136x128xf32, #tpu.memory_space<vmem>> -> memref<136x128xf32, #tpu.memory_space<vmem>>
        %dma_start3A_263 = arith.constant 0 : i32
        %dma_start3A_264 = arith.constant 0 : i32
        %dma_start3A_265 = tpu.memref_slice %arg5[%add3A_258, %dma_start3A_263, %dma_start3A_264] : memref<2048x136x128xf32, #tpu.memory_space<hbm>> -> memref<1x136x128xf32, #tpu.memory_space<hbm>>
        %dma_start3A_266 = tpu.memref_squeeze %dma_start3A_265 : memref<1x136x128xf32, #tpu.memory_space<hbm>> -> memref<136x128xf32, #tpu.memory_space<hbm>>
        %dma_start3A_267 = arith.constant 0 : i32
        %dma_start3A_268 = arith.constant 0 : i32
        %dma_start3A_269 = tpu.memref_slice %arg5[%add3A_258, %dma_start3A_267, %dma_start3A_268] : memref<2048x136x128xf32, #tpu.memory_space<hbm>> -> memref<1x136x128xf32, #tpu.memory_space<hbm>>
        %dma_start3A_270 = tpu.memref_squeeze %dma_start3A_269 : memref<1x136x128xf32, #tpu.memory_space<hbm>> -> memref<136x128xf32, #tpu.memory_space<hbm>>
        %dma_start3A_271 = arith.constant 0 : i32
        %dma_start3A_272 = arith.constant 0 : i32
        %dma_start3A_273 = tpu.memref_slice %arg7[%rem3A_225, %dma_start3A_271, %dma_start3A_272] : memref<6x136x128xf32, #tpu.memory_space<vmem>> -> memref<1x136x128xf32, #tpu.memory_space<vmem>>
        %dma_start3A_274 = tpu.memref_squeeze %dma_start3A_273 : memref<1x136x128xf32, #tpu.memory_space<vmem>> -> memref<136x128xf32, #tpu.memory_space<vmem>>
        tpu.enqueue_dma source(%dma_start3A_274 : memref<136x128xf32, #tpu.memory_space<vmem>>) target(%dma_start3A_270 : memref<136x128xf32, #tpu.memory_space<hbm>>) target_semaphore(%arg11 : memref<!tpu.dma_semaphore, #tpu.memory_space<semaphore_mem>>)
      } else {
      }
    }
    %scan3A_12 = arith.constant 64 : i32
    %rem3A = arith.constant 63 : i32
    %rem3A_13 = arith.constant 6 : i32
    %rem3A_14 = arith.remsi %rem3A, %rem3A_13 : i32
    %dma_wait3A = arith.constant 63 : i32
    %dma_wait3A_15 = arith.constant 0 : i32
    %dma_wait3A_16 = arith.constant 0 : i32
    %dma_wait3A_17 = tpu.memref_slice %arg7[%rem3A_14, %dma_wait3A_15, %dma_wait3A_16] : memref<6x136x128xf32, #tpu.memory_space<vmem>> -> memref<1x128x128xf32, #tpu.memory_space<vmem>>
    %dma_wait3A_18 = tpu.memref_squeeze %dma_wait3A_17 : memref<1x128x128xf32, #tpu.memory_space<vmem>> -> memref<128x128xf32, #tpu.memory_space<vmem>>
    %dma_wait3A_19 = arith.constant 0 : i32
    %dma_wait3A_20 = tpu.memref_slice %arg6[%dma_wait3A, %dma_wait3A_19] : memref<64x128xi32, #tpu.memory_space<vmem>> -> memref<1x128xi32, #tpu.memory_space<vmem>>
    %dma_wait3A_21 = tpu.memref_squeeze %dma_wait3A_20 : memref<1x128xi32, #tpu.memory_space<vmem>> -> memref<128xi32, #tpu.memory_space<vmem>>
    %dma_wait3A_22 = arith.constant 0 : i32
    %dma_wait3A_23 = arith.constant 0 : i32
    %dma_wait3A_24 = tpu.memref_slice %arg8[%dma_wait3A_22, %dma_wait3A_23] : memref<128x128xf32, #tpu.memory_space<vmem_shared>> -> memref<128x128xf32, #tpu.memory_space<vmem_shared>>
    tpu.wait_indirect_dma semaphore(%arg9 : memref<!tpu.dma_semaphore, #tpu.memory_space<semaphore_mem>>) src(%dma_wait3A_24 : memref<128x128xf32, #tpu.memory_space<vmem_shared>>) dst(%dma_wait3A_18 : memref<128x128xf32, #tpu.memory_space<vmem>>)
    %add3A_25 = arith.constant 504 : i32
    %add3A_26 = arith.addi %multiple_of3A, %add3A_25 : i32
    %multiple_of3A_27 = tpu.assume_multiple %add3A_26, 8 : i32
    %dma_wait3A_28 = arith.constant 128 : i32
    %dma_wait3A_29 = arith.constant 0 : i32
    %dma_wait3A_30 = tpu.memref_slice %arg7[%rem3A_14, %dma_wait3A_28, %dma_wait3A_29] : memref<6x136x128xf32, #tpu.memory_space<vmem>> -> memref<1x8x128xf32, #tpu.memory_space<vmem>>
    %dma_wait3A_31 = tpu.memref_squeeze %dma_wait3A_30 : memref<1x8x128xf32, #tpu.memory_space<vmem>> -> memref<8x128xf32, #tpu.memory_space<vmem>>
    %dma_wait3A_32 = arith.constant 0 : i32
    %dma_wait3A_33 = tpu.memref_slice %arg3[%multiple_of3A_27, %dma_wait3A_32] : memref<16384x128xf32, #tpu.memory_space<hbm>> -> memref<8x128xf32, #tpu.memory_space<hbm>>
    %dma_wait3A_34 = arith.constant 128 : i32
    %dma_wait3A_35 = arith.constant 0 : i32
    %dma_wait3A_36 = tpu.memref_slice %arg7[%rem3A_14, %dma_wait3A_34, %dma_wait3A_35] : memref<6x136x128xf32, #tpu.memory_space<vmem>> -> memref<1x8x128xf32, #tpu.memory_space<vmem>>
    %dma_wait3A_37 = tpu.memref_squeeze %dma_wait3A_36 : memref<1x8x128xf32, #tpu.memory_space<vmem>> -> memref<8x128xf32, #tpu.memory_space<vmem>>
    %dma_wait3A_38 = arith.constant 0 : i32
    %dma_wait3A_39 = tpu.memref_slice %arg3[%multiple_of3A_27, %dma_wait3A_38] : memref<16384x128xf32, #tpu.memory_space<hbm>> -> memref<8x128xf32, #tpu.memory_space<hbm>>
    tpu.wait_dma2 semaphore(%arg10 : memref<!tpu.dma_semaphore, #tpu.memory_space<semaphore_mem>>) src(%dma_wait3A_39 : memref<8x128xf32, #tpu.memory_space<hbm>>) dst(%dma_wait3A_37 : memref<8x128xf32, #tpu.memory_space<vmem>>)
    %add3A_40 = arith.constant 63 : i32
    %add3A_41 = arith.addi %multiple_of3A_5, %add3A_40 : i32
    %dma_start3A = arith.constant 0 : i32
    %dma_start3A_42 = arith.constant 0 : i32
    %dma_start3A_43 = tpu.memref_slice %arg7[%rem3A_14, %dma_start3A, %dma_start3A_42] : memref<6x136x128xf32, #tpu.memory_space<vmem>> -> memref<1x136x128xf32, #tpu.memory_space<vmem>>
    %dma_start3A_44 = tpu.memref_squeeze %dma_start3A_43 : memref<1x136x128xf32, #tpu.memory_space<vmem>> -> memref<136x128xf32, #tpu.memory_space<vmem>>
    %dma_start3A_45 = arith.constant 0 : i32
    %dma_start3A_46 = arith.constant 0 : i32
    %dma_start3A_47 = tpu.memref_slice %arg5[%add3A_41, %dma_start3A_45, %dma_start3A_46] : memref<2048x136x128xf32, #tpu.memory_space<hbm>> -> memref<1x136x128xf32, #tpu.memory_space<hbm>>
    %dma_start3A_48 = tpu.memref_squeeze %dma_start3A_47 : memref<1x136x128xf32, #tpu.memory_space<hbm>> -> memref<136x128xf32, #tpu.memory_space<hbm>>
    %dma_start3A_49 = arith.constant 0 : i32
    %dma_start3A_50 = arith.constant 0 : i32
    %dma_start3A_51 = tpu.memref_slice %arg5[%add3A_41, %dma_start3A_49, %dma_start3A_50] : memref<2048x136x128xf32, #tpu.memory_space<hbm>> -> memref<1x136x128xf32, #tpu.memory_space<hbm>>
    %dma_start3A_52 = tpu.memref_squeeze %dma_start3A_51 : memref<1x136x128xf32, #tpu.memory_space<hbm>> -> memref<136x128xf32, #tpu.memory_space<hbm>>
    %dma_start3A_53 = arith.constant 0 : i32
    %dma_start3A_54 = arith.constant 0 : i32
    %dma_start3A_55 = tpu.memref_slice %arg7[%rem3A_14, %dma_start3A_53, %dma_start3A_54] : memref<6x136x128xf32, #tpu.memory_space<vmem>> -> memref<1x136x128xf32, #tpu.memory_space<vmem>>
    %dma_start3A_56 = tpu.memref_squeeze %dma_start3A_55 : memref<1x136x128xf32, #tpu.memory_space<vmem>> -> memref<136x128xf32, #tpu.memory_space<vmem>>
    tpu.enqueue_dma source(%dma_start3A_56 : memref<136x128xf32, #tpu.memory_space<vmem>>) target(%dma_start3A_52 : memref<136x128xf32, #tpu.memory_space<hbm>>) target_semaphore(%arg11 : memref<!tpu.dma_semaphore, #tpu.memory_space<semaphore_mem>>)
    %rem3A_57 = arith.constant 58 : i32
    %rem3A_58 = arith.constant 6 : i32
    %rem3A_59 = arith.remsi %rem3A_57, %rem3A_58 : i32
    %add3A_60 = arith.constant 58 : i32
    %add3A_61 = arith.addi %multiple_of3A_5, %add3A_60 : i32
    %dma_wait3A_62 = arith.constant 0 : i32
    %dma_wait3A_63 = arith.constant 0 : i32
    %dma_wait3A_64 = tpu.memref_slice %arg7[%rem3A_59, %dma_wait3A_62, %dma_wait3A_63] : memref<6x136x128xf32, #tpu.memory_space<vmem>> -> memref<1x136x128xf32, #tpu.memory_space<vmem>>
    %dma_wait3A_65 = tpu.memref_squeeze %dma_wait3A_64 : memref<1x136x128xf32, #tpu.memory_space<vmem>> -> memref<136x128xf32, #tpu.memory_space<vmem>>
    %dma_wait3A_66 = arith.constant 0 : i32
    %dma_wait3A_67 = arith.constant 0 : i32
    %dma_wait3A_68 = tpu.memref_slice %arg5[%add3A_61, %dma_wait3A_66, %dma_wait3A_67] : memref<2048x136x128xf32, #tpu.memory_space<hbm>> -> memref<1x136x128xf32, #tpu.memory_space<hbm>>
    %dma_wait3A_69 = tpu.memref_squeeze %dma_wait3A_68 : memref<1x136x128xf32, #tpu.memory_space<hbm>> -> memref<136x128xf32, #tpu.memory_space<hbm>>
    %dma_wait3A_70 = arith.constant 0 : i32
    %dma_wait3A_71 = arith.constant 0 : i32
    %dma_wait3A_72 = tpu.memref_slice %arg5[%add3A_61, %dma_wait3A_70, %dma_wait3A_71] : memref<2048x136x128xf32, #tpu.memory_space<hbm>> -> memref<1x136x128xf32, #tpu.memory_space<hbm>>
    %dma_wait3A_73 = tpu.memref_squeeze %dma_wait3A_72 : memref<1x136x128xf32, #tpu.memory_space<hbm>> -> memref<136x128xf32, #tpu.memory_space<hbm>>
    %dma_wait3A_74 = arith.constant 0 : i32
    %dma_wait3A_75 = arith.constant 0 : i32
    %dma_wait3A_76 = tpu.memref_slice %arg7[%rem3A_59, %dma_wait3A_74, %dma_wait3A_75] : memref<6x136x128xf32, #tpu.memory_space<vmem>> -> memref<1x136x128xf32, #tpu.memory_space<vmem>>
    %dma_wait3A_77 = tpu.memref_squeeze %dma_wait3A_76 : memref<1x136x128xf32, #tpu.memory_space<vmem>> -> memref<136x128xf32, #tpu.memory_space<vmem>>
    tpu.wait_dma2 semaphore(%arg11 : memref<!tpu.dma_semaphore, #tpu.memory_space<semaphore_mem>>) src(%dma_wait3A_77 : memref<136x128xf32, #tpu.memory_space<vmem>>) dst(%dma_wait3A_73 : memref<136x128xf32, #tpu.memory_space<hbm>>)
    %rem3A_78 = arith.constant 59 : i32
    %rem3A_79 = arith.constant 6 : i32
    %rem3A_80 = arith.remsi %rem3A_78, %rem3A_79 : i32
    %add3A_81 = arith.constant 59 : i32
    %add3A_82 = arith.addi %multiple_of3A_5, %add3A_81 : i32
    %dma_wait3A_83 = arith.constant 0 : i32
    %dma_wait3A_84 = arith.constant 0 : i32
    %dma_wait3A_85 = tpu.memref_slice %arg7[%rem3A_80, %dma_wait3A_83, %dma_wait3A_84] : memref<6x136x128xf32, #tpu.memory_space<vmem>> -> memref<1x136x128xf32, #tpu.memory_space<vmem>>
    %dma_wait3A_86 = tpu.memref_squeeze %dma_wait3A_85 : memref<1x136x128xf32, #tpu.memory_space<vmem>> -> memref<136x128xf32, #tpu.memory_space<vmem>>
    %dma_wait3A_87 = arith.constant 0 : i32
    %dma_wait3A_88 = arith.constant 0 : i32
    %dma_wait3A_89 = tpu.memref_slice %arg5[%add3A_82, %dma_wait3A_87, %dma_wait3A_88] : memref<2048x136x128xf32, #tpu.memory_space<hbm>> -> memref<1x136x128xf32, #tpu.memory_space<hbm>>
    %dma_wait3A_90 = tpu.memref_squeeze %dma_wait3A_89 : memref<1x136x128xf32, #tpu.memory_space<hbm>> -> memref<136x128xf32, #tpu.memory_space<hbm>>
    %dma_wait3A_91 = arith.constant 0 : i32
    %dma_wait3A_92 = arith.constant 0 : i32
    %dma_wait3A_93 = tpu.memref_slice %arg5[%add3A_82, %dma_wait3A_91, %dma_wait3A_92] : memref<2048x136x128xf32, #tpu.memory_space<hbm>> -> memref<1x136x128xf32, #tpu.memory_space<hbm>>
    %dma_wait3A_94 = tpu.memref_squeeze %dma_wait3A_93 : memref<1x136x128xf32, #tpu.memory_space<hbm>> -> memref<136x128xf32, #tpu.memory_space<hbm>>
    %dma_wait3A_95 = arith.constant 0 : i32
    %dma_wait3A_96 = arith.constant 0 : i32
    %dma_wait3A_97 = tpu.memref_slice %arg7[%rem3A_80, %dma_wait3A_95, %dma_wait3A_96] : memref<6x136x128xf32, #tpu.memory_space<vmem>> -> memref<1x136x128xf32, #tpu.memory_space<vmem>>
    %dma_wait3A_98 = tpu.memref_squeeze %dma_wait3A_97 : memref<1x136x128xf32, #tpu.memory_space<vmem>> -> memref<136x128xf32, #tpu.memory_space<vmem>>
    tpu.wait_dma2 semaphore(%arg11 : memref<!tpu.dma_semaphore, #tpu.memory_space<semaphore_mem>>) src(%dma_wait3A_98 : memref<136x128xf32, #tpu.memory_space<vmem>>) dst(%dma_wait3A_94 : memref<136x128xf32, #tpu.memory_space<hbm>>)
    %rem3A_99 = arith.constant 60 : i32
    %rem3A_100 = arith.constant 6 : i32
    %rem3A_101 = arith.remsi %rem3A_99, %rem3A_100 : i32
    %add3A_102 = arith.constant 60 : i32
    %add3A_103 = arith.addi %multiple_of3A_5, %add3A_102 : i32
    %dma_wait3A_104 = arith.constant 0 : i32
    %dma_wait3A_105 = arith.constant 0 : i32
    %dma_wait3A_106 = tpu.memref_slice %arg7[%rem3A_101, %dma_wait3A_104, %dma_wait3A_105] : memref<6x136x128xf32, #tpu.memory_space<vmem>> -> memref<1x136x128xf32, #tpu.memory_space<vmem>>
    %dma_wait3A_107 = tpu.memref_squeeze %dma_wait3A_106 : memref<1x136x128xf32, #tpu.memory_space<vmem>> -> memref<136x128xf32, #tpu.memory_space<vmem>>
    %dma_wait3A_108 = arith.constant 0 : i32
    %dma_wait3A_109 = arith.constant 0 : i32
    %dma_wait3A_110 = tpu.memref_slice %arg5[%add3A_103, %dma_wait3A_108, %dma_wait3A_109] : memref<2048x136x128xf32, #tpu.memory_space<hbm>> -> memref<1x136x128xf32, #tpu.memory_space<hbm>>
    %dma_wait3A_111 = tpu.memref_squeeze %dma_wait3A_110 : memref<1x136x128xf32, #tpu.memory_space<hbm>> -> memref<136x128xf32, #tpu.memory_space<hbm>>
    %dma_wait3A_112 = arith.constant 0 : i32
    %dma_wait3A_113 = arith.constant 0 : i32
    %dma_wait3A_114 = tpu.memref_slice %arg5[%add3A_103, %dma_wait3A_112, %dma_wait3A_113] : memref<2048x136x128xf32, #tpu.memory_space<hbm>> -> memref<1x136x128xf32, #tpu.memory_space<hbm>>
    %dma_wait3A_115 = tpu.memref_squeeze %dma_wait3A_114 : memref<1x136x128xf32, #tpu.memory_space<hbm>> -> memref<136x128xf32, #tpu.memory_space<hbm>>
    %dma_wait3A_116 = arith.constant 0 : i32
    %dma_wait3A_117 = arith.constant 0 : i32
    %dma_wait3A_118 = tpu.memref_slice %arg7[%rem3A_101, %dma_wait3A_116, %dma_wait3A_117] : memref<6x136x128xf32, #tpu.memory_space<vmem>> -> memref<1x136x128xf32, #tpu.memory_space<vmem>>
    %dma_wait3A_119 = tpu.memref_squeeze %dma_wait3A_118 : memref<1x136x128xf32, #tpu.memory_space<vmem>> -> memref<136x128xf32, #tpu.memory_space<vmem>>
    tpu.wait_dma2 semaphore(%arg11 : memref<!tpu.dma_semaphore, #tpu.memory_space<semaphore_mem>>) src(%dma_wait3A_119 : memref<136x128xf32, #tpu.memory_space<vmem>>) dst(%dma_wait3A_115 : memref<136x128xf32, #tpu.memory_space<hbm>>)
    %rem3A_120 = arith.constant 61 : i32
    %rem3A_121 = arith.constant 6 : i32
    %rem3A_122 = arith.remsi %rem3A_120, %rem3A_121 : i32
    %add3A_123 = arith.constant 61 : i32
    %add3A_124 = arith.addi %multiple_of3A_5, %add3A_123 : i32
    %dma_wait3A_125 = arith.constant 0 : i32
    %dma_wait3A_126 = arith.constant 0 : i32
    %dma_wait3A_127 = tpu.memref_slice %arg7[%rem3A_122, %dma_wait3A_125, %dma_wait3A_126] : memref<6x136x128xf32, #tpu.memory_space<vmem>> -> memref<1x136x128xf32, #tpu.memory_space<vmem>>
    %dma_wait3A_128 = tpu.memref_squeeze %dma_wait3A_127 : memref<1x136x128xf32, #tpu.memory_space<vmem>> -> memref<136x128xf32, #tpu.memory_space<vmem>>
    %dma_wait3A_129 = arith.constant 0 : i32
    %dma_wait3A_130 = arith.constant 0 : i32
    %dma_wait3A_131 = tpu.memref_slice %arg5[%add3A_124, %dma_wait3A_129, %dma_wait3A_130] : memref<2048x136x128xf32, #tpu.memory_space<hbm>> -> memref<1x136x128xf32, #tpu.memory_space<hbm>>
    %dma_wait3A_132 = tpu.memref_squeeze %dma_wait3A_131 : memref<1x136x128xf32, #tpu.memory_space<hbm>> -> memref<136x128xf32, #tpu.memory_space<hbm>>
    %dma_wait3A_133 = arith.constant 0 : i32
    %dma_wait3A_134 = arith.constant 0 : i32
    %dma_wait3A_135 = tpu.memref_slice %arg5[%add3A_124, %dma_wait3A_133, %dma_wait3A_134] : memref<2048x136x128xf32, #tpu.memory_space<hbm>> -> memref<1x136x128xf32, #tpu.memory_space<hbm>>
    %dma_wait3A_136 = tpu.memref_squeeze %dma_wait3A_135 : memref<1x136x128xf32, #tpu.memory_space<hbm>> -> memref<136x128xf32, #tpu.memory_space<hbm>>
    %dma_wait3A_137 = arith.constant 0 : i32
    %dma_wait3A_138 = arith.constant 0 : i32
    %dma_wait3A_139 = tpu.memref_slice %arg7[%rem3A_122, %dma_wait3A_137, %dma_wait3A_138] : memref<6x136x128xf32, #tpu.memory_space<vmem>> -> memref<1x136x128xf32, #tpu.memory_space<vmem>>
    %dma_wait3A_140 = tpu.memref_squeeze %dma_wait3A_139 : memref<1x136x128xf32, #tpu.memory_space<vmem>> -> memref<136x128xf32, #tpu.memory_space<vmem>>
    tpu.wait_dma2 semaphore(%arg11 : memref<!tpu.dma_semaphore, #tpu.memory_space<semaphore_mem>>) src(%dma_wait3A_140 : memref<136x128xf32, #tpu.memory_space<vmem>>) dst(%dma_wait3A_136 : memref<136x128xf32, #tpu.memory_space<hbm>>)
    %rem3A_141 = arith.constant 62 : i32
    %rem3A_142 = arith.constant 6 : i32
    %rem3A_143 = arith.remsi %rem3A_141, %rem3A_142 : i32
    %add3A_144 = arith.constant 62 : i32
    %add3A_145 = arith.addi %multiple_of3A_5, %add3A_144 : i32
    %dma_wait3A_146 = arith.constant 0 : i32
    %dma_wait3A_147 = arith.constant 0 : i32
    %dma_wait3A_148 = tpu.memref_slice %arg7[%rem3A_143, %dma_wait3A_146, %dma_wait3A_147] : memref<6x136x128xf32, #tpu.memory_space<vmem>> -> memref<1x136x128xf32, #tpu.memory_space<vmem>>
    %dma_wait3A_149 = tpu.memref_squeeze %dma_wait3A_148 : memref<1x136x128xf32, #tpu.memory_space<vmem>> -> memref<136x128xf32, #tpu.memory_space<vmem>>
    %dma_wait3A_150 = arith.constant 0 : i32
    %dma_wait3A_151 = arith.constant 0 : i32
    %dma_wait3A_152 = tpu.memref_slice %arg5[%add3A_145, %dma_wait3A_150, %dma_wait3A_151] : memref<2048x136x128xf32, #tpu.memory_space<hbm>> -> memref<1x136x128xf32, #tpu.memory_space<hbm>>
    %dma_wait3A_153 = tpu.memref_squeeze %dma_wait3A_152 : memref<1x136x128xf32, #tpu.memory_space<hbm>> -> memref<136x128xf32, #tpu.memory_space<hbm>>
    %dma_wait3A_154 = arith.constant 0 : i32
    %dma_wait3A_155 = arith.constant 0 : i32
    %dma_wait3A_156 = tpu.memref_slice %arg5[%add3A_145, %dma_wait3A_154, %dma_wait3A_155] : memref<2048x136x128xf32, #tpu.memory_space<hbm>> -> memref<1x136x128xf32, #tpu.memory_space<hbm>>
    %dma_wait3A_157 = tpu.memref_squeeze %dma_wait3A_156 : memref<1x136x128xf32, #tpu.memory_space<hbm>> -> memref<136x128xf32, #tpu.memory_space<hbm>>
    %dma_wait3A_158 = arith.constant 0 : i32
    %dma_wait3A_159 = arith.constant 0 : i32
    %dma_wait3A_160 = tpu.memref_slice %arg7[%rem3A_143, %dma_wait3A_158, %dma_wait3A_159] : memref<6x136x128xf32, #tpu.memory_space<vmem>> -> memref<1x136x128xf32, #tpu.memory_space<vmem>>
    %dma_wait3A_161 = tpu.memref_squeeze %dma_wait3A_160 : memref<1x136x128xf32, #tpu.memory_space<vmem>> -> memref<136x128xf32, #tpu.memory_space<vmem>>
    tpu.wait_dma2 semaphore(%arg11 : memref<!tpu.dma_semaphore, #tpu.memory_space<semaphore_mem>>) src(%dma_wait3A_161 : memref<136x128xf32, #tpu.memory_space<vmem>>) dst(%dma_wait3A_157 : memref<136x128xf32, #tpu.memory_space<hbm>>)
    %rem3A_162 = arith.constant 63 : i32
    %rem3A_163 = arith.constant 6 : i32
    %rem3A_164 = arith.remsi %rem3A_162, %rem3A_163 : i32
    %add3A_165 = arith.constant 63 : i32
    %add3A_166 = arith.addi %multiple_of3A_5, %add3A_165 : i32
    %dma_wait3A_167 = arith.constant 0 : i32
    %dma_wait3A_168 = arith.constant 0 : i32
    %dma_wait3A_169 = tpu.memref_slice %arg7[%rem3A_164, %dma_wait3A_167, %dma_wait3A_168] : memref<6x136x128xf32, #tpu.memory_space<vmem>> -> memref<1x136x128xf32, #tpu.memory_space<vmem>>
    %dma_wait3A_170 = tpu.memref_squeeze %dma_wait3A_169 : memref<1x136x128xf32, #tpu.memory_space<vmem>> -> memref<136x128xf32, #tpu.memory_space<vmem>>
    %dma_wait3A_171 = arith.constant 0 : i32
    %dma_wait3A_172 = arith.constant 0 : i32
    %dma_wait3A_173 = tpu.memref_slice %arg5[%add3A_166, %dma_wait3A_171, %dma_wait3A_172] : memref<2048x136x128xf32, #tpu.memory_space<hbm>> -> memref<1x136x128xf32, #tpu.memory_space<hbm>>
    %dma_wait3A_174 = tpu.memref_squeeze %dma_wait3A_173 : memref<1x136x128xf32, #tpu.memory_space<hbm>> -> memref<136x128xf32, #tpu.memory_space<hbm>>
    %dma_wait3A_175 = arith.constant 0 : i32
    %dma_wait3A_176 = arith.constant 0 : i32
    %dma_wait3A_177 = tpu.memref_slice %arg5[%add3A_166, %dma_wait3A_175, %dma_wait3A_176] : memref<2048x136x128xf32, #tpu.memory_space<hbm>> -> memref<1x136x128xf32, #tpu.memory_space<hbm>>
    %dma_wait3A_178 = tpu.memref_squeeze %dma_wait3A_177 : memref<1x136x128xf32, #tpu.memory_space<hbm>> -> memref<136x128xf32, #tpu.memory_space<hbm>>
    %dma_wait3A_179 = arith.constant 0 : i32
    %dma_wait3A_180 = arith.constant 0 : i32
    %dma_wait3A_181 = tpu.memref_slice %arg7[%rem3A_164, %dma_wait3A_179, %dma_wait3A_180] : memref<6x136x128xf32, #tpu.memory_space<vmem>> -> memref<1x136x128xf32, #tpu.memory_space<vmem>>
    %dma_wait3A_182 = tpu.memref_squeeze %dma_wait3A_181 : memref<1x136x128xf32, #tpu.memory_space<vmem>> -> memref<136x128xf32, #tpu.memory_space<vmem>>
    tpu.wait_dma2 semaphore(%arg11 : memref<!tpu.dma_semaphore, #tpu.memory_space<semaphore_mem>>) src(%dma_wait3A_182 : memref<136x128xf32, #tpu.memory_space<vmem>>) dst(%dma_wait3A_178 : memref<136x128xf32, #tpu.memory_space<hbm>>)
    return
  }
}

module attributes {stable_mosaic.version = 14 : i64} {
  func.func @_lin_body(%arg0: i32, %arg1: memref<4096x63xf32, #tpu.memory_space<vmem>>, %arg2: memref<128x63xf32, #tpu.memory_space<vmem>>, %arg3: memref<128xf32, #tpu.memory_space<vmem>>, %arg4: memref<4096x16xi32, #tpu.memory_space<vmem>>, %arg5: memref<4096x128xf32, #tpu.memory_space<vmem>>, %arg6: memref<512x128xi32, #tpu.memory_space<vmem>>) attributes {dimension_semantics = [#tpu.dimension_semantics<arbitrary>], iteration_bounds = array<i64: 4>, scalar_prefetch = 0 : i64, scratch_operands = 0 : i64, tpu.core_type = #tpu.core_type<tc>, window_params = [{transform_indices = @transform_0, window_bounds = array<i64: 4096, 63>}, {pipeline_mode = #tpu.pipeline_mode<synchronous>, transform_indices = @transform_1, window_bounds = array<i64: 128, 63>}, {pipeline_mode = #tpu.pipeline_mode<synchronous>, transform_indices = @transform_2, window_bounds = array<i64: 128>}, {transform_indices = @transform_3, window_bounds = array<i64: 4096, 16>}, {transform_indices = @transform_4, window_bounds = array<i64: 4096, 128>}, {transform_indices = @transform_5, window_bounds = array<i64: 512, 128>}]} {
    %get3A = arith.constant 0 : index
    %get3A_0 = arith.constant 0 : index
    %get3A_1 = vector.load %arg1[%get3A, %get3A_0] : memref<4096x63xf32, #tpu.memory_space<vmem>>, vector<4096x63xf32>
    %get3A_2 = arith.constant 0 : index
    %get3A_3 = arith.constant 0 : index
    %get3A_4 = vector.load %arg2[%get3A_2, %get3A_3] : memref<128x63xf32, #tpu.memory_space<vmem>>, vector<128x63xf32>
    %dot_general3A = arith.constant dense<0.000000e+00> : vector<4096x128xf32>
    %dot_general3A_5 = tpu.matmul %get3A_1, %get3A_4, %dot_general3A {dimension_numbers = #tpu.dot_dimension_numbers<[1], [1], [0], [0], [0, 0, 1, 0], [], []>, transpose_lhs_hint = false} : vector<4096x63xf32>, vector<128x63xf32>, vector<4096x128xf32> -> vector<4096x128xf32>
    %get3A_6 = arith.constant 0 : index
    %get3A_7 = vector.load %arg3[%get3A_6] : memref<128xf32, #tpu.memory_space<vmem>>, vector<128xf32>
    %broadcast_in_dim3A = vector.shape_cast %get3A_7 : vector<128xf32> to vector<1x128xf32>
    %add3A = vector.broadcast %broadcast_in_dim3A : vector<1x128xf32> to vector<4096x128xf32>
    %add3A_8 = arith.addf %dot_general3A_5, %add3A : vector<4096x128xf32>
    %swap3A = arith.constant 0 : index
    %swap3A_9 = arith.constant 0 : index
    %swap3A_10 = vector.load %arg5[%swap3A, %swap3A_9] : memref<4096x128xf32, #tpu.memory_space<vmem>>, vector<4096x128xf32>
    tpu.vector_store %arg5[%swap3A, %swap3A_9], %add3A_8 {strides = array<i32>} : memref<4096x128xf32, #tpu.memory_space<vmem>>, vector<4096x128xf32>,
    %get3A_11 = arith.constant 0 : index
    %get3A_12 = arith.constant 0 : index
    %get3A_13 = vector.load %arg4[%get3A_11, %get3A_12] : memref<4096x16xi32, #tpu.memory_space<vmem>>, vector<4096x16xi32>
    %reshape3A = vector.shape_cast %get3A_13 : vector<4096x16xi32> to vector<512x8x16xi32>
    %transpose3A = tpu.transpose %reshape3A, [0, 2, 1] : vector<512x8x16xi32> -> vector<512x16x8xi32>
    %reshape3A_14 = vector.shape_cast %transpose3A : vector<512x16x8xi32> to vector<512x128xi32>
    %swap3A_15 = arith.constant 0 : index
    %swap3A_16 = arith.constant 0 : index
    %swap3A_17 = vector.load %arg6[%swap3A_15, %swap3A_16] : memref<512x128xi32, #tpu.memory_space<vmem>>, vector<512x128xi32>
    tpu.vector_store %arg6[%swap3A_15, %swap3A_16], %reshape3A_14 {strides = array<i32>} : memref<512x128xi32, #tpu.memory_space<vmem>>, vector<512x128xi32>,
    return
  }
  func.func @transform_0(%arg0: i32) -> (i32, i32) {
    %c0_i32 = arith.constant 0 : i32
    %c0_i32_0 = arith.constant 0 : i32
    return %arg0, %c0_i32 : i32, i32
  }
  func.func @transform_1(%arg0: i32) -> (i32, i32) {
    %c0_i32 = arith.constant 0 : i32
    %c0_i32_0 = arith.constant 0 : i32
    %c0_i32_1 = arith.constant 0 : i32
    return %c0_i32, %c0_i32_0 : i32, i32
  }
  func.func @transform_2(%arg0: i32) -> i32 {
    %c0_i32 = arith.constant 0 : i32
    %c0_i32_0 = arith.constant 0 : i32
    return %c0_i32 : i32
  }
  func.func @transform_3(%arg0: i32) -> (i32, i32) {
    %c0_i32 = arith.constant 0 : i32
    %c0_i32_0 = arith.constant 0 : i32
    return %arg0, %c0_i32 : i32, i32
  }
  func.func @transform_4(%arg0: i32) -> (i32, i32) {
    %c0_i32 = arith.constant 0 : i32
    %c0_i32_0 = arith.constant 0 : i32
    return %arg0, %c0_i32 : i32, i32
  }
  func.func @transform_5(%arg0: i32) -> (i32, i32) {
    %c0_i32 = arith.constant 0 : i32
    %c0_i32_0 = arith.constant 0 : i32
    return %arg0, %c0_i32 : i32, i32
  }
}

</mosaic_0001>

<sc_bundles>
// kernel: kernel.4.cloned.1.call-start
scs
__scs_entry_jumppad:
0x0: {  	(pc) =	sbr.rel $0x88, $3  }
0x1: {  	(tag) =	ssettag $0x0;
	lr =	simm.s32 $0x1  }
0x2: {  	[smem:$0x3F9C] =	sst lr;
	_ =	strace $0xD0000000  }
0x3: {  	_ = 	snop  }
0x4: {  	_ = 	snop  }
0x5: {  	_ = 	snop  }
0x6: {  	_ = 	snop  }
0x7: {  	_ = 	snop  }
__scs_overlays_trampoline_lowered:
0x8: {  	[smem:$0x3FAB] =	sst s0  }
0x9: {  	[smem:$0x3FAC] =	sst s1  }
0xa: {  	[smem:$0x3FAD] =	sst s2  }
0xb: {  	[smem:$0x3FAE] =	sst s3  }
0xc: {  	[smem:$0x3FAF] =	sst s4  }
0xd: {  	[smem:$0x3FB0] =	sst s5  }
0xe: {  	[smem:$0x3FB1] =	sst s6  }
0xf: {  	[smem:$0x3FB2] =	sst s7  }
0x10: {  	[smem:$0x3FB3] =	sst s8  }
0x11: {  	[smem:$0x3FB4] =	sst s9;
	s0 =	simm.s32 @!p0 $0x0  }
0x12: {  	s1 =	sld [smem:$0x3F9A];
	s0 =	simm.s32 @p0 $0x1  }
0x13: {  	[smem:$0x3FB5] =	sst s0;
	s0 =	simm.s32 @!p1 $0x0  }
0x14: {  	s2 =	sld [smem:$0x3F99];
	s0 =	simm.s32 @p1 $0x1  }
0x15: {  	[smem:$0x3FB6] =	sst s0;
	s0 =	simm.s32 @!p2 $0x0  }
0x16: {  	s3 =	sld [smem:$0x3FDB];
	s0 =	simm.s32 @p2 $0x1  }
0x17: {  	s4 =	simm.s32 $0x1BF5;
	[smem:$0x3FB8] =	sst s0  }
0x18: {  	s0 =	sld [smem:$0x3F9B];
	_ =	swait.ge [sflag:s4], $0x0  }
0x19: {  	s7 =	sld [smem:$0x3F9C]  }
0x1a: {  	s8 =	sadd.s32 $0xFFFFE003, lr  }
0x1b: {  	s9 =	sadd.s32 $0xFFFFFEF7, lr;
	s5 =	simm.s32 $0xFFFFFFFF;
	p2 =	slt.u32 s8, $0xFFFFF086  }
0x1c: {  	p1 =	slt.u32 s9, $0xF7A;
	s5 =	simm.s32 @!p2 $0x0  }
0x1d: {  	s5 =	simm.s32 @p1 $0x1;
	p0 =	seq.s32 s7, s2  }
0x1e: {  	s7 =	smul.u32 @!p0 $0xF7A, s2;
	p2 =	seq.s32 @!p0 s5, $0x0  }
0x1f: {  	s9 =	smul.u32 $0xF7A, s1;
	s8 =	simm.s32 @!p0 $0x1BF5;
	p2 =	por !p2, p0  }
0x20: {  	[sflag:s8] =	ssyncset.s32 @!p0 $0xFFFFF086;
	s6 =	sadd.s32 @!p0 s3, s7;
	s7 =	simm.s32 @!p0 $0x108  }
0x21: {  	s3 =	sadd.s32 s3, s9;
	s6 =	sadd.s32 @!p0 $0x88, s6;
	s7 =	simm.s32 @p2 $0x1082  }
0x22: {  	[simem:s7], [sflag:s8] =	dma.local @!p0 [hbm:s6], $0xF7A  }
0x23: {  	s9 =	sor.u32 $0xD0000000, s2;
	s6 =	simm.s32 $0x108;
	_ =	swait.ge @!p0 [sflag:s8], $0x0  }
0x24: {  	s3 =	sadd.s32 $0x88, s3;
	s6 =	simm.s32 @!p1 $0x1082;
	[sflag:s4] =	ssyncset.s32 $0xFFFFF086  }
0x25: {  	[simem:s6], [sflag:s4] =	dma.local [hbm:s3], $0xF7A  }
0x26: {  	[smem:$0x3F9C] =	sst s1;
	(tag) =	ssettag s2;
	_ =	strace s9  }
0x27: {  	s1 =	sld [smem:$0x3FAC]  }
0x28: {  	s2 =	sld [smem:$0x3FAD]  }
0x29: {  	s4 =	sld [smem:$0x3FAF]  }
0x2a: {  	p0 =	seq.s32 s5, $0x0;
	s5 =	sld [smem:$0x3FB0]  }
0x2b: {  	s6 =	sld [smem:$0x3FB1]  }
0x2c: {  	s7 =	sld [smem:$0x3FB2]  }
0x2d: {  	s3 =	simm.s32 $0x108;
	s8 =	sld [smem:$0x3FB3]  }
0x2e: {  	s3 =	simm.s32 @!p0 $0x1082;
	s9 =	sld [smem:$0x3FB4]  }
0x2f: {  	lr =	sadd.s32 s0, s3;
	s0 =	sld [smem:$0x3FAB]  }
0x30: {  	s3 =	sld [smem:$0x3FAE]  }
0x31: {  	[smem:$0x3FB7] =	sst s10  }
0x32: {  	s10 =	sld [smem:$0x3FB5];
	_ =	sdelay $0x3  }
0x33: {  	p0 =	seq.s32 s10, $0x1;
	s10 =	sld [smem:$0x3FB7];
	_ =	sdelay $0x3  }
0x34: {  	[smem:$0x3FB7] =	sst s10  }
0x35: {  	s10 =	sld [smem:$0x3FB6];
	_ =	sdelay $0x3  }
0x36: {  	p1 =	seq.s32 s10, $0x1;
	s10 =	sld [smem:$0x3FB7];
	_ =	sdelay $0x3  }
0x37: {  	[smem:$0x3FB7] =	sst s10  }
0x38: {  	s10 =	sld [smem:$0x3FB8]  }
0x39: {  	_ = 	snop;
	(pc) =	sbr.ind lr, $3  }
0x3a: {  	_ = 	snop  }
0x3b: {  	_ = 	snop  }
0x3c: {  	p2 =	seq.s32 s10, $0x1;
	s10 =	sld [smem:$0x3FB7]  }
0x3d: {  	_ =	shalt  }
0x3e: {  	_ =	shalt  }
0x3f: {  	_ =	shalt  }
0x40: {  	_ =	shalt  }
0x41: {  	_ =	shalt  }
0x42: {  	_ =	shalt  }
0x43: {  	_ =	shalt  }
0x44: {  	_ =	shalt  }
0x45: {  	_ =	shalt  }
0x46: {  	_ =	shalt  }
0x47: {  	_ =	shalt  }
0x48: {  	_ =	shalt  }
0x49: {  	_ =	shalt  }
0x4a: {  	_ =	shalt  }
0x4b: {  	_ =	shalt  }
0x4c: {  	_ =	shalt  }
0x4d: {  	_ =	shalt  }
0x4e: {  	_ =	shalt  }
0x4f: {  	_ =	shalt  }
0x50: {  	_ =	shalt  }
0x51: {  	_ =	shalt  }
0x52: {  	_ =	shalt  }
0x53: {  	_ =	shalt  }
0x54: {  	_ =	shalt  }
0x55: {  	_ =	shalt  }
0x56: {  	_ =	shalt  }
0x57: {  	_ =	shalt  }
0x58: {  	_ =	shalt  }
0x59: {  	_ =	shalt  }
0x5a: {  	_ =	shalt  }
0x5b: {  	_ =	shalt  }
0x5c: {  	_ =	shalt  }
0x5d: {  	_ =	shalt  }
0x5e: {  	_ =	shalt  }
0x5f: {  	_ =	shalt  }
0x60: {  	_ =	shalt  }
0x61: {  	_ =	shalt  }
0x62: {  	_ =	shalt  }
0x63: {  	_ =	shalt  }
0x64: {  	_ =	shalt  }
0x65: {  	_ =	shalt  }
0x66: {  	_ =	shalt  }
0x67: {  	_ =	shalt  }
0x68: {  	_ =	shalt  }
0x69: {  	_ =	shalt  }
0x6a: {  	_ =	shalt  }
0x6b: {  	_ =	shalt  }
0x6c: {  	_ =	shalt  }
0x6d: {  	_ =	shalt  }
0x6e: {  	_ =	shalt  }
0x6f: {  	_ =	shalt  }
0x70: {  	_ =	shalt  }
0x71: {  	_ =	shalt  }
0x72: {  	_ =	shalt  }
0x73: {  	_ =	shalt  }
0x74: {  	_ =	shalt  }
0x75: {  	_ =	shalt  }
0x76: {  	_ =	shalt  }
0x77: {  	_ =	shalt  }
0x78: {  	_ =	shalt  }
0x79: {  	_ =	shalt  }
0x7a: {  	_ =	shalt  }
0x7b: {  	_ =	shalt  }
0x7c: {  	_ =	shalt  }
0x7d: {  	_ =	shalt  }
0x7e: {  	_ =	shalt  }
0x7f: {  	_ =	shalt  }
0x80: {  	_ =	shalt  }
0x81: {  	_ =	shalt  }
0x82: {  	_ =	shalt  }
0x83: {  	_ =	shalt  }
0x84: {  	_ =	shalt  }
0x85: {  	_ =	shalt  }
0x86: {  	_ =	shalt  }
0x87: {  	_ =	shalt  }
.Lfunc_end0:
.L_simem_size_0:
called_computation_lowered:
.L_overlay_start_0:
0x88: {  	s2 =	sld [smem:$0x3FD9]  }
0x89: {  	s3 =	sld [smem:$0x3FFE];
	_ =	sdelay $0x1  }
0x8a: {  	s1 =	srdreg.scid  }
0x8b: {  	s0 =	sand.u32 $0x1, s1  }
0x8c: {  	s17 =	sshll.u32 s0, $0xA;
	s2 =	sadd.s32 s3, s2  }
0x8d: {  	s2 =	sadd.s32 s2, s17  }
0x8e: {  	[smem:$0x3FC3] =	sst s2  }
0x8f: {  	_ = 	snop  }
0x90: {  	s2 =	sld [smem:$0x3FC7]  }
0x91: {  	s18 =	sld [smem:$0x3FD0];
	(tm) =	ssettm $0x1  }
0x92: {  	s4 =	sld [smem:$0x3FFB];
	_ =	sdelay $0x3  }
0x93: {  	_ =	strace s4  }
0x94: {  	s4 =	sld [smem:$0x3FFC];
	_ =	sdelay $0x3  }
0x95: {  	_ =	strace s4  }
0x96: {  	s4 =	sld [smem:$0x3FFD];
	_ =	sdelay $0x3  }
0x97: {  	_ =	strace s4  }
0x98: {  	_ =	strace $0x8FFFFFFF  }
0x99: {  	s19 =	sld [smem:$0x3FDB];
	_ =	sdelay $0x1  }
0x9a: {  	s5 =	simm.s32 $_scs_section_size  }
0x9b: {  	s6 =	simm.s32 $_size__tile_overlayer_lowered;
	s7 =	simm.s32 $_tile_overlayer_lowered  }
0x9c: {  	s22 =	simm.s32 $0x1BFF;
	s21 =	sshll.u32 s7, $0x1;
	s4 =	sadd.s32 s5, s19  }
0x9d: {  	s8 =	simm.s32 $0x0;
	s20 =	sshll.u32 s6, $0x1;
	s6 =	sadd.s32 s21, s4  }
0x9e: {  	[timem:s8], [sflag:s22] =	dma.local [hbm:s6], s20  }
0x9f: {  	_ =	swait.ge [sflag:s22], s20  }
0xa0: {  	s5 =	ssub.s32 $0x0, s20;
	[sflag:s22] =	ssyncset.done $0x0  }
0xa1: {  	[sflag:s22] =	ssyncadd.s32 s5;
	_ =	sdelay $0x1  }
0xa2: {  	s23 =	simm.s32 $0x1B8B  }
0xa3: {  	_ =	swait.ge [sflag:s23], $0x1  }
0xa4: {  	[sflag:s23] =	ssyncset.done $0x0  }
0xa5: {  	s25 =	simm.s32 $0x1B8E;
	s24 =	sld [smem:$0x3FFE];
	[sflag:s23] =	ssyncadd.s32 $0xFFFFFFFF  }
0xa6: {  	s26 =	simm.s32 $execute0_lowered;
	[smem:$0x3FD2] =	sst s25  }
0xa7: {  	s6 =	sshll.u32 s26, $0x1;
	_ =	strace $0x80000046;
	[dreg:$0x1] =	wrdreg $0xFFFFFFFF  }
0xa8: {  	s28 =	simm.s32 $_size_execute0_lowered;
	s4 =	sadd.s32 s4, s6;
	[dreg:$0x0] =	wrdreg $0x0  }
0xa9: {  	s6 =	sshll.u32 s28, $0x1;
	[dreg:$0x2] =	wrdreg s4  }
0xaa: {  	[dreg:$0x3] =	wrdreg s6  }
0xab: {  	[dreg:$0x4] =	wrdreg $0xC0  }
0xac: {  	_ =	task [dreg:s8], $0x5FFFF  }
0xad: {  	[dreg:$0x1] =	wrdreg $0xFFFFFFFF  }
0xae: {  	[dreg:$0x0] =	wrdreg $0x60  }
0xaf: {  	[dreg:$0x2] =	wrdreg s24  }
0xb0: {  	[dreg:$0x3] =	wrdreg s2  }
0xb1: {  	[dreg:$0x4] =	wrdreg s18  }
0xb2: {  	[dreg:$0x5] =	wrdreg $0x1B8000  }
0xb3: {  	[dreg:$0x6] =	wrdreg $0x9  }
0xb4: {  	_ =	task.clear_ibuf [dreg:s8], $0x7FFFF;
	_ =	strace $0x90000046  }
0xb5: {  	s29 =	simm.s32 $0x9;
	_ =	strace $0x80000048  }
0xb6: {  	_ =	swait.ge [sflag:s29], $0x1  }
0xb7: {  	[sflag:s29] =	ssyncadd.s32 $0xFFFFFFFF  }
0xb8: {  	_ =	strace $0x90000048  }
0xb9: {  	_ =	sfence  }
0xba: {  	s30 =	sld [smem:$0x0];
	_ =	sdelay $0x2  }
0xbb: {  	s31 =	sshll.u32 s1, $0xD;
	s1 =	sshrl.u32 s1, $0x2  }
0xbc: {  	s3 =	sand.u32 $0x4000, s31;
	s1 =	sadd.s32 s1, s30  }
0xbd: {  	s0 =	sor.u32 s3, s0;
	s1 =	sshll.u32 s1, $0x11  }
0xbe: {  	s0 =	sor.u32 s1, s0  }
0xbf: {  	s0 =	sadd.s32 $0x8F2B, s0  }
0xc0: {  	[sflag:s0] =	ssyncadd.remote.s32 $0x1  }
0xc1: {  	_ =	sfence.sel $0xFFFF  }
0xc2: {  	[dreg:$0x0] =	wrdreg $0xFFFFFFFF;
	(pc) =	sbr.abs _section_cstart, $3  }
0xc3: {  	[dreg:$0x1] =	wrdreg $0xFFFFFFFF  }
0xc4: {  	_ =	task.clear_ibuf [dreg:s8], $0x2FFFF;
	_ =	strace $0x9FFFFFFF  }
0xc5: {  	(tm) =	ssettm $0x7FFFFFFF  }
tec
execute0_lowered:
.L_overlay_start_1:
0x0: {  	(tag) =	ssettag $0x1  }
0x1: {  	s4 =	rddreg [dreg:$0x0]  }
0x2: {  	s1 =	rddreg [dreg:$0x1]  }
0x3: {  	s6 =	rddreg [dreg:$0x2]  }
0x4: {  	s2 =	rddreg [dreg:$0x3]  }
0x5: {  	s5 =	srdreg.scid;
	s0 =	rddreg [dreg:$0x4];
	s3 =	simm.s32 $0x0  }
0x6: {  	s8 =	stileid.u32;
	s13 =	simm.s32 $0x2;
	s14 =	simm.s32 $0xEC00  }
0x7: {  	s15 =	simm.s32 $0x3;
	s16 =	simm.s32 $0x0;
	s5 =	sand.u32 $0x1, s5  }
0x8: {  	[smem:$0x7FF] =	sst s3;
	s29 =	smul.u32 $0x22000, s8;
	s31 =	sshll.u32 s8, $0xD  }
0x9: {  	p0 =	sne.s32 s8, $0x0;
	s7 =	sshll.u32 s5, $0x4;
	_ =	strace $0x80000047  }
0xa: {  	s10 =	sshll.u32 s5, $0x11;
	s26 =	ssub.s32 $0x2, s5;
	s12 =	smul.u32 $0x220000, s5  }
0xb: {  	s7 =	sor.u32 s8, s7;
	s10 =	sadd.s32 s10, s4;
	s11 =	sshrl.u32 s26, $0x1  }
0xc: {  	s9 =	sshll.u32 s7, $0xA;
	s7 =	smul.u32 $0x110000, s7;
	s11 =	ssub.s32 s26, s11  }
0xd: {  	s30 =	sadd.s32 s12, s6;
	s12 =	simm.s32 $0x1;
	s9 =	sadd.s32 s9, s4  }
0xe: {  	s7 =	sshrl.u32 s7, $0x3;
	s4 =	sadd.s32 $0x40E00, s9;
	s9 =	sadd.s32 s31, s10  }
0xf: {  	s10 =	simm.s32 $0x4;
	s28 =	sadd.s32 s6, s7;
	s6 =	smax.u32 s11, $0x1  }
0x10: {  	s7 =	sadd.s32 s29, s30;
	s8 =	sadd.s32 $0xE00, s9;
	s9 =	sshrl.u32 @!p0 s2, $0x3  }
0x11: {  	s11 =	simm.s32 $0x80;
	s5 =	sadd.s32 $0x21780, s28;
	s7 =	sadd.s32 $0xFFFFF780, s7  }
.LBB2_1:
0x12: {  	s17 =	simm.s32 @!p0 $0x1C04  }
0x13: {  	[spmem:s9], [sflag:s17] =	dma.local @!p0 [hbm:s1], $0x7F0  }
0x14: {  	s17 =	simm.s32 @!p0 $0x4  }
0x15: {  	s30 =	smul.u32 $0xAB, s3;
	_ =	swait.ge @!p0 [sflag:s17], $0x7F0  }
0x16: {  	[sflag:s17] =	ssyncset.done @!p0 $0x0  }
0x17: {  	[sflag:s17] =	ssyncadd.s32 @!p0 $0xFFFFF810;
	s17 =	sshrl.u32 s30, $0xA  }
0x18: {  	[tilespmem:s3], [sflag:$0x4] =	stream.linear.gather [hbm4b:s4+s3], $0x2000, $0x38;
	[tilespmem:$0x1BC00] =	vst v63  }
0x19: {  	s17 =	sand.u32 $0x3F, s17  }
0x1a: {  	s17 =	smul.u32 $0x6, s17  }
0x1b: {  	p2 =	por $0x1, $0x1;
	_ =	swait.ge [sflag:s10], $0x2000  }
0x1c: {  	p1 =	por $0x1, $0x1;
	[sflag:s10] =	ssyncset.done $0x0;
	s17 =	ssub.s32 $0x0, s17  }
0x1d: {  	s20 =	simm.s32 $0x1;
	[sflag:s10] =	ssyncadd.s32 $0xFFFFE000;
	s17 =	sand.u32 $0xFF, s17  }
0x1e: {  	s18 =	simm.s32 @!p2 $0x3;
	[bflag:$0x0] =	sbarrier.arrive $0xFFFF;
	s17 =	smul.u32 $0x11000, s17  }
0x1f: {  	s19 =	simm.s32 @!p1 $0x5;
	s23 =	simm.s32 @!p1 $0x1;
	_ =	swait.ge @!p2 [sflag:s18], $0x4400  }
0x20: {  	s19 =	sand.u32 @!p1 $0xFF, s19;
	[sflag:s18] =	ssyncset.done @!p2 $0x0;
	s17 =	sshrl.u32 s17, $0x2  }
0x21: {  	s19 =	smul.u32 @!p1 $0xAB, s19;
	[sflag:s18] =	ssyncadd.s32 @!p2 $0xFFFFBC00;
	s31 =	sadd.s32 $0x2000, s17  }
0x22: {  	[tilespmem:s31], [sflag:$0x1] =	stream.indirect.gather [spmem:s2], $0x80, s3, s11, $0xb8;
	[tilespmem:$0x1BC00] =	vst v63  }
0x23: {  	s25 =	smul.u32 $0xAB, s20;
	s18 =	sshrl.u32 @!p1 s19, $0xA;
	s17 =	sadd.s32 $0x6000, s17  }
0x24: {  	[tilespmem:s17], [sflag:$0x2] =	stream.linear.gather [hbm4b:s8+s3], $0x400, $0x38;
	[tilespmem:$0x1BC00] =	vst v63  }
0x25: {  	s21 =	simm.s32 $0x2;
	s17 =	smul.u32 @!p1 $0x6, s18;
	_ =	swait.ge @!p1 [sflag:s23], $0x4000  }
0x26: {  	s22 =	simm.s32 @!p1 $0x0;
	s25 =	sshrl.u32 s25, $0xA;
	[sflag:s23] =	ssyncset.done @!p1 $0x0  }
0x27: {  	s17 =	ssub.s32 @!p1 $0x5, s17;
	[sflag:s23] =	ssyncadd.s32 @!p1 $0xFFFFC000;
	s23 =	simm.s32 @!p1 $0x2  }
0x28: {  	s19 =	sadd.s32 $0x80, s8;
	s17 =	sand.u32 @!p1 $0xFF, s17;
	_ =	swait.ge @!p1 [sflag:s23], $0x400  }
0x29: {  	s18 =	simm.s32 $0x80;
	s24 =	smul.u32 @!p1 $0x11000, s17;
	[sflag:s23] =	ssyncset.done @!p1 $0x0  }
0x2a: {  	s17 =	sadd.s32 $0x880, s7;
	[sflag:s23] =	ssyncadd.s32 @!p1 $0xFFFFFC00;
	s23 =	smov.u32 s7  }
.LBB2_2:
0x2b: {  	s25 =	sand.u32 $0x3F, s25  }
0x2c: {  	s24 =	sshrl.u32 @!p1 s24, $0x2;
	s26 =	smov.u32 s21;
	s21 =	sadd.s32 $0x1, s21  }
0x2d: {  	p2 =	sne.s32 s21, $0x40;
	s25 =	smul.u32 $0x6, s25;
	s24 =	sadd.s32 @!p1 $0x2000, s24  }
0x2e: {  	[hbm4b:s23+s22] =	stream.linear.scatter @!p1 [tilespmem:s24], [sflag:$0x3], $0x4400, $0x38;
	[tilespmem:$0x1BC00] =	vst v63  }
0x2f: {  	s23 =	smov.u32 s17;
	s22 =	ssub.s32 s20, s25  }
0x30: {  	p3 =	slt.u32 s20, $0x6;
	s22 =	sand.u32 $0xFF, s22  }
0x31: {  	s24 =	simm.s32 @!p3 $0x3;
	p1 =	seq.s32 s20, $0x0;
	s25 =	smul.u32 $0x11000, s22  }
0x32: {  	s28 =	sadd.s32 @!p1 $0x5, s20;
	s22 =	simm.s32 @!p1 $0x0;
	_ =	swait.ge @!p3 [sflag:s24], $0x4400  }
0x33: {  	[sflag:s24] =	ssyncset.done @!p3 $0x0;
	s20 =	sshrl.u32 s25, $0x2;
	s25 =	sand.u32 @!p1 $0xFF, s28  }
0x34: {  	[sflag:s24] =	ssyncadd.s32 @!p3 $0xFFFFBC00;
	s24 =	sadd.s32 $0x2000, s20;
	s25 =	smul.u32 @!p1 $0xAB, s25  }
0x35: {  	[tilespmem:s24], [sflag:$0x1] =	stream.indirect.gather [spmem:s2], $0x80, s18, s11, $0xb8;
	[tilespmem:$0x1BC00] =	vst v63  }
0x36: {  	s20 =	sadd.s32 $0x6000, s20;
	s24 =	simm.s32 @!p1 $0x1;
	s25 =	sshrl.u32 @!p1 s25, $0xA  }
0x37: {  	[tilespmem:s20], [sflag:$0x2] =	stream.linear.gather [hbm4b:s19+s3], $0x400, $0x38;
	[tilespmem:$0x1BC00] =	vst v63  }
0x38: {  	s25 =	smul.u32 @!p1 $0x6, s25;
	s20 =	smov.u32 s26;
	_ =	swait.ge @!p1 [sflag:s24], $0x4000  }
.Ltmp0:
0x39: {  	s18 =	sadd.s32 $0x80, s18;
	[sflag:s24] =	ssyncset.done @!p1 $0x0;
	(pc) =	sbr.rel @p2 .LBB2_2-.Ltmp0, $4  }
0x3a: {  	s26 =	simm.s32 @!p1 $0x2;
	[sflag:s24] =	ssyncadd.s32 @!p1 $0xFFFFC000;
	s24 =	ssub.s32 @!p1 s28, s25  }
0x3b: {  	s25 =	smul.u32 $0xAB, s20;
	_ =	swait.ge @!p1 [sflag:s26], $0x400;
	s24 =	sand.u32 @!p1 $0xFF, s24  }
0x3c: {  	s19 =	sadd.s32 $0x80, s19;
	[sflag:s26] =	ssyncset.done @!p1 $0x0;
	s24 =	smul.u32 @!p1 $0x11000, s24  }
0x3d: {  	s17 =	sadd.s32 $0x880, s17;
	s25 =	sshrl.u32 s25, $0xA;
	[sflag:s26] =	ssyncadd.s32 @!p1 $0xFFFFFC00  }
0x3e: {  	s21 =	sand.u32 $0x3F, s25;
	s24 =	sshrl.u32 @!p1 s24, $0x2  }
0x3f: {  	s21 =	smul.u32 $0x6, s21;
	s24 =	sadd.s32 @!p1 $0x2000, s24  }
0x40: {  	[hbm4b:s23+s22] =	stream.linear.scatter @!p1 [tilespmem:s24], [sflag:$0x3], $0x4400, $0x38;
	[tilespmem:$0x1BC00] =	vst v63  }
0x41: {  	s21 =	ssub.s32 s20, s21  }
0x42: {  	p2 =	slt.u32 s20, $0x6;
	s21 =	sand.u32 $0xFF, s21  }
0x43: {  	s22 =	simm.s32 @!p2 $0x3;
	p1 =	seq.s32 s20, $0x0;
	s21 =	smul.u32 $0x11000, s21  }
0x44: {  	_ =	swait.ge @!p2 [sflag:s22], $0x4400;
	s20 =	sadd.s32 @!p1 $0x5, s20  }
0x45: {  	[sflag:s22] =	ssyncset.done @!p2 $0x0;
	s23 =	sand.u32 @!p1 $0xFF, s20;
	s21 =	sshrl.u32 s21, $0x2  }
0x46: {  	[sflag:s22] =	ssyncadd.s32 @!p2 $0xFFFFBC00;
	s23 =	smul.u32 @!p1 $0xAB, s23;
	s31 =	sadd.s32 $0x2000, s21  }
0x47: {  	[tilespmem:s31], [sflag:$0x1] =	stream.indirect.gather [spmem:s2], $0x80, s18, s11, $0xb8;
	[tilespmem:$0x1BC00] =	vst v63  }
0x48: {  	s18 =	sshrl.u32 @!p1 s23, $0xA  }
0x49: {  	s22 =	simm.s32 @!p1 $0x1;
	s21 =	sadd.s32 $0x6000, s21;
	s18 =	smul.u32 @!p1 $0x6, s18  }
0x4a: {  	[tilespmem:s21], [sflag:$0x2] =	stream.linear.gather [hbm4b:s19+s3], $0x400, $0x38;
	[tilespmem:$0x1BC00] =	vst v63  }
0x4b: {  	_ =	swait.ge @!p1 [sflag:s22], $0x4000;
	s18 =	ssub.s32 @!p1 s20, s18  }
0x4c: {  	[sflag:s22] =	ssyncset.done @!p1 $0x0;
	s18 =	sand.u32 @!p1 $0xFF, s18  }
0x4d: {  	s19 =	simm.s32 @!p1 $0x2;
	[sflag:s22] =	ssyncadd.s32 @!p1 $0xFFFFC000;
	s18 =	smul.u32 @!p1 $0x11000, s18  }
0x4e: {  	_ =	swait.ge @!p1 [sflag:s19], $0x400  }
0x4f: {  	[sflag:s19] =	ssyncset.done @!p1 $0x0;
	s18 =	sshrl.u32 @!p1 s18, $0x2  }
0x50: {  	s20 =	simm.s32 @!p1 $0x0;
	[sflag:s19] =	ssyncadd.s32 @!p1 $0xFFFFFC00;
	s18 =	sadd.s32 @!p1 $0x2000, s18  }
0x51: {  	[hbm4b:s17+s20] =	stream.linear.scatter @!p1 [tilespmem:s18], [sflag:$0x3], $0x4400, $0x38;
	[tilespmem:$0x1BC00] =	vst v63  }
0x52: {  	_ =	swait.ge [sflag:s12], $0x4000  }
0x53: {  	[sflag:s12] =	ssyncset.done $0x0  }
0x54: {  	[sflag:s12] =	ssyncadd.s32 $0xFFFFC000  }
0x55: {  	_ =	swait.ge [sflag:s13], $0x400  }
0x56: {  	[sflag:s13] =	ssyncset.done $0x0  }
0x57: {  	[sflag:s13] =	ssyncadd.s32 $0xFFFFFC00  }
0x58: {  	[hbm4b:s5+s3] =	stream.linear.scatter [tilespmem:s14], [sflag:$0x3], $0x4400, $0x38;
	[tilespmem:$0x1BC00] =	vst v63  }
0x59: {  	_ =	swait.ge [sflag:s15], $0x4400  }
0x5a: {  	[sflag:s15] =	ssyncset.done $0x0  }
0x5b: {  	[sflag:s15] =	ssyncadd.s32 $0xFFFFBC00  }
0x5c: {  	_ =	swait.ge [sflag:s15], $0x4400  }
0x5d: {  	[sflag:s15] =	ssyncset.done $0x0  }
0x5e: {  	[sflag:s15] =	ssyncadd.s32 $0xFFFFBC00  }
0x5f: {  	_ =	swait.ge [sflag:s15], $0x4400  }
0x60: {  	[sflag:s15] =	ssyncset.done $0x0  }
0x61: {  	[sflag:s15] =	ssyncadd.s32 $0xFFFFBC00  }
0x62: {  	_ =	swait.ge [sflag:s15], $0x4400  }
0x63: {  	[sflag:s15] =	ssyncset.done $0x0  }
0x64: {  	s16 =	sadd.s32 $0x1, s16;
	[sflag:s15] =	ssyncadd.s32 $0xFFFFBC00  }
0x65: {  	p1 =	sne.s32 s16, s6;
	_ =	swait.ge [sflag:s15], $0x4400  }
.Ltmp1:
0x66: {  	[sflag:s15] =	ssyncset.done $0x0;
	(pc) =	sbr.rel @p1 .LBB2_1-.Ltmp1, $4  }
0x67: {  	[sflag:s15] =	ssyncadd.s32 $0xFFFFBC00  }
0x68: {  	_ =	swait.ge [sflag:s15], $0x4400  }
0x69: {  	[sflag:s15] =	ssyncset.done $0x0  }
0x6a: {  	[sflag:s15] =	ssyncadd.s32 $0xFFFFBC00  }
0x6b: {  	_ =	sfence.sel $0x180000  }
0x6c: {  	[bflag:$0x0] =	sbarrier.arrive $0xFFFF  }
0x6d: {  	_ =	strace $0x90000047  }
0x6e: {  	s0 =	sadd.s32 @!p0 $0x100000, s0;
	[bflag:$0x2] =	sbarrier.arrive $0xFFFF  }
0x6f: {  	[sflag:s0] =	ssyncadd.tile.s32 @!p0 $0x1;
	_ =	shalt  }
.Lfunc_end2:
_tile_overlayer_lowered:
.L_overlay_start_2:
0x70: {  	(tag) =	ssettag $0x2  }
0x71: {  	s0 =	rddreg [dreg:$0x0];
	s2 =	stileid.u32  }
0x72: {  	s1 =	rddreg [dreg:$0x1];
	p0 =	sne.s32 s2, $0x0  }
0x73: {  	s3 =	rddreg [dreg:$0x2];
	[bflag:$0x3] =	sbarrier.arrive $0xFFFF;
	s2 =	simm.s32 @!p0 $0x1C04  }
0x74: {  	[timem:s3], [sflag:s2] =	dma.local @!p0 [hbm:s0], s1  }
0x75: {  	s0 =	simm.s32 @!p0 $0x4  }
0x76: {  	_ =	swait.ge @!p0 [sflag:s0], s1  }
0x77: {  	s1 =	ssub.s32 @!p0 $0x0, s1;
	[sflag:s0] =	ssyncset.done @!p0 $0x0  }
0x78: {  	[sflag:s0] =	ssyncadd.s32 @!p0 s1  }
0x79: {  	[bflag:$0x3] =	sbarrier.arrive $0xFFFF  }
0x7a: {  	_ =	shalt  }

</sc_bundles>
